<compile_context>
chip_gen: v7x
topology: tpu7x:2x2x1
jax: 0.10.2.dev20260603
libtpu: 0.0.44.dev20260713+nightly
codegen_flags: <defaults>
</compile_context>

<pallas_src>
import dataclasses
import functools

import jax
import jax.numpy as jnp
from jax import lax
from jax.experimental import pallas as pl
from jax.experimental.pallas import tpu as pltpu
from jax.experimental.pallas import tpu_sc as plsc

_K = 8
_NTILES = 32
_LANES = 16
_TILE_ROWS = 256


def _gate_block(x_ref, w1_ref, b1_ref, w2_ref, b2_ref, pt_ref):
    bm, C, DC = x_ref.shape
    h = None
    for c in range(C):
        xc = x_ref[:, c, :]
        w1c = w1_ref[:, pl.ds(c * DC, DC)]
        part = lax.dot_general(
            xc, w1c, (((1,), (1,)), ((), ())),
            preferred_element_type=jnp.float32)
        h = part if h is None else h + part
    h = jnp.maximum(h + b1_ref[...], 0.0)
    nt = pt_ref.shape[0]
    tr = pt_ref.shape[2]
    for s in range(nt):
        hs = h[s * tr:(s + 1) * tr, :]
        lt = lax.dot_general(
            w2_ref[...], hs, (((1,), (1,)), ((), ())),
            preferred_element_type=jnp.float32)
        lt = lt + b2_ref[...]
        m = jnp.max(lt, axis=0, keepdims=True)
        e = jnp.exp(lt - m)
        pt_ref[s] = e / jnp.sum(e, axis=0, keepdims=True)


def _probs_t(tokens, W1, b1, W2, b2, row_start, nrows):
    B, C, DC = tokens.shape
    H = W1.shape[0]
    E = W2.shape[0]
    BM = 512
    blk0 = row_start // BM
    return pl.pallas_call(
        _gate_block,
        grid=(nrows // BM,),
        in_specs=[
            pl.BlockSpec((BM, C, DC), lambda i: (i + blk0, 0, 0)),
            pl.BlockSpec((H, C * DC), lambda i: (0, 0)),
            pl.BlockSpec((1, H), lambda i: (0, 0)),
            pl.BlockSpec((E, H), lambda i: (0, 0)),
            pl.BlockSpec((E, 1), lambda i: (0, 0)),
        ],
        out_specs=pl.BlockSpec(
            (BM // _TILE_ROWS, E, _TILE_ROWS), lambda i: (i, 0, 0)),
        out_shape=jax.ShapeDtypeStruct(
            (nrows // _TILE_ROWS, E, _TILE_ROWS), jnp.float32),
        compiler_params=pltpu.CompilerParams(
            dimension_semantics=("arbitrary",),
        ),
    )(tokens, W1, b1.reshape(1, H), W2, b2.reshape(E, 1))


def _topk_scatter(probs_t):
    ntiles, E, rows_per_tile = probs_t.shape
    B = ntiles * rows_per_tile
    groups = rows_per_tile // _LANES
    mesh = plsc.VectorSubcoreMesh(core_axis_name="c", subcore_axis_name="s")

    cp = pltpu.CompilerParams()
    if "needs_layout_passes" in pltpu.CompilerParams.__dataclass_fields__:
        cp = dataclasses.replace(cp, needs_layout_passes=False)
    if "use_tc_tiling_on_sc" in pltpu.CompilerParams.__dataclass_fields__:
        cp = dataclasses.replace(cp, use_tc_tiling_on_sc=True)

    @functools.partial(
        pl.kernel,
        compiler_params=cp,
        out_type=[
            jax.ShapeDtypeStruct((B, E), jnp.float32),
            jax.ShapeDtypeStruct((B, _K), jnp.int32),
        ],
        mesh=mesh,
        scratch_types=[
            pltpu.VMEM((E, rows_per_tile), jnp.float32),
            pltpu.VMEM((rows_per_tile, E), jnp.float32),
            pltpu.VMEM((rows_per_tile, _K), jnp.int32),
        ],
    )
    def sc_kernel(pt_hbm, r_hbm, idx_hbm, pt_v, r_v, idx_v):
        wid = lax.axis_index("s") * 2 + lax.axis_index("c")
        base = wid * rows_per_tile
        pltpu.sync_copy(pt_hbm.at[wid], pt_v)

        lane = lax.iota(jnp.int32, _LANES)
        zero_v = jnp.zeros((_LANES,), jnp.float32)

        @pl.loop(0, rows_per_tile)
        def _(r):
            @pl.loop(0, E, step=_LANES)
            def _(c):
                r_v[r, pl.ds(c, _LANES)] = zero_v

        @pl.loop(0, groups)
        def _(g):
            row_vec = g * _LANES + lane
            neg = jnp.full((_LANES,), -1.0, jnp.float32)
            zi = jnp.zeros((_LANES,), jnp.int32)
            carry0 = (neg,) * _K + (zi,) * _K

            def body(e2, carry):
                t = list(carry[:_K])
                j = list(carry[_K:])
                for u in range(2):
                    e = e2 * 2 + u
                    cur_v = pt_v[e, pl.ds(g * _LANES, _LANES)]
                    cur_j = jnp.full((_LANES,), e, jnp.int32)
                    for k in range(_K):
                        gt = cur_v > t[k]
                        nt = jnp.where(gt, cur_v, t[k])
                        nj = jnp.where(gt, cur_j, j[k])
                        cur_v = jnp.where(gt, t[k], cur_v)
                        cur_j = jnp.where(gt, j[k], cur_j)
                        t[k] = nt
                        j[k] = nj
                return tuple(t) + tuple(j)

            carry = lax.fori_loop(0, E // 2, body, carry0)
            t = carry[:_K]
            j = carry[_K:]
            for k in range(_K):
                plsc.store_scatter(r_v, [row_vec, j[k]], t[k])
                plsc.store_scatter(
                    idx_v, [row_vec, jnp.full((_LANES,), k, jnp.int32)], j[k])

        pltpu.sync_copy(r_v, r_hbm.at[pl.ds(base, rows_per_tile), :])
        pltpu.sync_copy(idx_v, idx_hbm.at[pl.ds(base, rows_per_tile), :])

    return sc_kernel(probs_t)


def kernel(tokens, W1, b1, W2, b2):
    B = tokens.shape[0]
    pt = _probs_t(tokens, W1, b1, W2, b2, 0, B)
    R, idx = _topk_scatter(pt)
    return (R, idx)

# --- scband reference (transcript-rebuilt; emitter-appended) ---
"""Pipeline reference for scband-mo-emanage-25872882991978 (READ-ONLY COPY).

The authoritative reference and input builder live on the scoring server;
editing this copy changes nothing except your own understanding.
"""

import jax, jax.numpy as jnp
import numpy as np


def setup_inputs(seed: int = 0) -> dict:
    key = jax.random.key(seed)
    ks = jax.random.split(key, 4)
    tokens = jax.random.normal(ks[0], (8192, 4, 1024), dtype=jnp.float32)
    # gate = Linear(4096 -> 1024), ReLU, Linear(1024 -> 64)
    W1 = jax.random.normal(ks[1], (1024, 4096), dtype=jnp.float32) * 0.02
    b1 = jnp.zeros((1024,), dtype=jnp.float32)
    W2 = jax.random.normal(ks[2], (64, 1024), dtype=jnp.float32) * 0.02
    b2 = jnp.zeros((64,), dtype=jnp.float32)
    return {"tokens": tokens, "W1": W1, "b1": b1, "W2": W2, "b2": b2}


def reference(tokens, W1, b1, W2, b2):
    k = 8
    temperature = 1.0
    B = tokens.shape[0]
    x = tokens.reshape(B, -1)
    h = jnp.maximum(jnp.dot(x, W1.T) + b1, 0.0)
    logits = jnp.dot(h, W2.T) + b2
    probs = jax.nn.softmax(logits / max(1e-06, temperature), axis=-1)
    topk_vals, topk_idx = jax.lax.top_k(probs, k)
    # R[b, topk_idx[b]] = probs[b, topk_idx[b]]  (vectorized scatter-overwrite)
    rows = jnp.arange(B)[:, None]
    gathered = jnp.take_along_axis(probs, topk_idx, axis=-1)
    R = jnp.zeros_like(probs).at[rows, topk_idx].set(gathered)
    return (R, topk_idx)

if __name__ == "__main__":
    import jax
    _d = setup_inputs()
    print(jax.jit(kernel)(*tuple(_d.values())))

</pallas_src>

<mosaic_0001>
#map = affine_map<(d0, d1) -> (0, 0, 0)>
#map1 = affine_map<(d0, d1) -> (0, 0)>
module attributes {stable_mosaic.version = 14 : i64} {
  func.func @sc_kernel(%arg0: i32, %arg1: i32, %arg2: memref<32x64x256xf32, #tpu.memory_space<hbm>>, %arg3: memref<8192x64xf32, #tpu.memory_space<hbm>>, %arg4: memref<8192x8xi32, #tpu.memory_space<hbm>>, %arg5: memref<64x256xf32, #tpu.memory_space<vmem>>, %arg6: memref<256x64xf32, #tpu.memory_space<vmem>>, %arg7: memref<256x8xi32, #tpu.memory_space<vmem>>) attributes {dimension_semantics = [#tpu.dimension_semantics<core_parallel>, #tpu.dimension_semantics<subcore_parallel>], iteration_bounds = array<i64: 2, 16>, scalar_prefetch = 0 : i64, scratch_operands = 3 : i64, tpu.core_type = #tpu.core_type<sc_vector_subcore>, window_params = [{transform_indices = #map}, {transform_indices = #map1}, {transform_indices = #map1}]} {
    %mul3A = arith.constant 2 : i32
    %mul3A_0 = arith.muli %arg1, %mul3A : i32
    %add3A = arith.addi %mul3A_0, %arg0 : i32
    %mul3A_1 = arith.constant 256 : i32
    %mul3A_2 = arith.muli %add3A, %mul3A_1 : i32
    "tpu.region"() ({
      %run_scoped3A = tpu.sem_alloc : memref<!tpu.dma_semaphore, #tpu.memory_space<semaphore_mem>>
      %dma_start3A = arith.constant 0 : i32
      %dma_start3A_13 = arith.constant 0 : i32
      %dma_start3A_14 = tpu.memref_slice %arg2[%add3A, %dma_start3A, %dma_start3A_13] : memref<32x64x256xf32, #tpu.memory_space<hbm>> -> memref<1x64x256xf32, #tpu.memory_space<hbm>>
      %dma_start3A_15 = tpu.memref_squeeze %dma_start3A_14 : memref<1x64x256xf32, #tpu.memory_space<hbm>> -> memref<64x256xf32, #tpu.memory_space<hbm>>
      %dma_start3A_16 = arith.constant 0 : i32
      %dma_start3A_17 = arith.constant 0 : i32
      %dma_start3A_18 = tpu.memref_slice %arg2[%add3A, %dma_start3A_16, %dma_start3A_17] : memref<32x64x256xf32, #tpu.memory_space<hbm>> -> memref<1x64x256xf32, #tpu.memory_space<hbm>>
      %dma_start3A_19 = tpu.memref_squeeze %dma_start3A_18 : memref<1x64x256xf32, #tpu.memory_space<hbm>> -> memref<64x256xf32, #tpu.memory_space<hbm>>
      tpu.enqueue_dma source(%dma_start3A_19 : memref<64x256xf32, #tpu.memory_space<hbm>>) target(%arg5 : memref<64x256xf32, #tpu.memory_space<vmem>>) target_semaphore(%run_scoped3A : memref<!tpu.dma_semaphore, #tpu.memory_space<semaphore_mem>>)
      %dma_wait3A = arith.constant 0 : i32
      %dma_wait3A_20 = arith.constant 0 : i32
      %dma_wait3A_21 = tpu.memref_slice %arg2[%add3A, %dma_wait3A, %dma_wait3A_20] : memref<32x64x256xf32, #tpu.memory_space<hbm>> -> memref<1x64x256xf32, #tpu.memory_space<hbm>>
      %dma_wait3A_22 = tpu.memref_squeeze %dma_wait3A_21 : memref<1x64x256xf32, #tpu.memory_space<hbm>> -> memref<64x256xf32, #tpu.memory_space<hbm>>
      %dma_wait3A_23 = arith.constant 0 : i32
      %dma_wait3A_24 = arith.constant 0 : i32
      %dma_wait3A_25 = tpu.memref_slice %arg2[%add3A, %dma_wait3A_23, %dma_wait3A_24] : memref<32x64x256xf32, #tpu.memory_space<hbm>> -> memref<1x64x256xf32, #tpu.memory_space<hbm>>
      %dma_wait3A_26 = tpu.memref_squeeze %dma_wait3A_25 : memref<1x64x256xf32, #tpu.memory_space<hbm>> -> memref<64x256xf32, #tpu.memory_space<hbm>>
      tpu.wait_dma2 semaphore(%run_scoped3A : memref<!tpu.dma_semaphore, #tpu.memory_space<semaphore_mem>>) src(%dma_wait3A_26 : memref<64x256xf32, #tpu.memory_space<hbm>>) dst(%arg5 : memref<64x256xf32, #tpu.memory_space<vmem>>)
      tpu.yield
    }) : () -> ()
    %iota3A = tpu.iota {dimensions = array<i32: 0>} : vector<16xi32>
    %broadcast_in_dim3A = arith.constant 0.000000e+00 : f32
    %broadcast_in_dim3A_3 = vector.broadcast %broadcast_in_dim3A : f32 to vector<16xf32>
    %scan3A = arith.constant 0 : i32
    %scan3A_4 = arith.constant 256 : i32
    %scan3A_5 = arith.addi %scan3A, %scan3A_4 : i32
    %scan3A_6 = arith.constant 1 : i32
    scf.for %scan3A_13 = %scan3A to %scan3A_5 step %scan3A_6  : i32 {
      %mul3A_14 = arith.constant 1 : i32
      %mul3A_15 = arith.muli %scan3A_13, %mul3A_14 : i32
      %add3A_16 = arith.constant 0 : i32
      %add3A_17 = arith.addi %add3A_16, %mul3A_15 : i32
      %scan3A_18 = arith.constant 0 : i32
      %scan3A_19 = arith.constant 4 : i32
      %scan3A_20 = arith.addi %scan3A_18, %scan3A_19 : i32
      %scan3A_21 = arith.constant 1 : i32
      scf.for %scan3A_23 = %scan3A_18 to %scan3A_20 step %scan3A_21  : i32 {
        %mul3A_24 = arith.constant 16 : i32
        %mul3A_25 = arith.muli %scan3A_23, %mul3A_24 : i32
        %add3A_26 = arith.constant 0 : i32
        %add3A_27 = arith.addi %add3A_26, %mul3A_25 : i32
        %swap3A = arith.index_cast %add3A_17 : i32 to index
        %swap3A_28 = arith.index_cast %add3A_27 : i32 to index
        %swap3A_29 = tpu.vector_load %arg6[%swap3A, %swap3A_28] {strides = array<i32>} : memref<256x64xf32, #tpu.memory_space<vmem>>, vector<16xf32>,
        tpu.vector_store %arg6[%swap3A, %swap3A_28], %broadcast_in_dim3A_3 {strides = array<i32>} : memref<256x64xf32, #tpu.memory_space<vmem>>, vector<16xf32>,
      }
      %scan3A_22 = arith.constant 4 : i32
    }
    %scan3A_7 = arith.constant 256 : i32
    %scan3A_8 = arith.constant 0 : i32
    %scan3A_9 = arith.constant 16 : i32
    %scan3A_10 = arith.addi %scan3A_8, %scan3A_9 : i32
    %scan3A_11 = arith.constant 1 : i32
    scf.for %scan3A_13 = %scan3A_8 to %scan3A_10 step %scan3A_11  : i32 {
      %mul3A_14 = arith.constant 1 : i32
      %mul3A_15 = arith.muli %scan3A_13, %mul3A_14 : i32
      %add3A_16 = arith.constant 0 : i32
      %add3A_17 = arith.addi %add3A_16, %mul3A_15 : i32
      %mul3A_18 = arith.constant 16 : i32
      %mul3A_19 = arith.muli %add3A_17, %mul3A_18 : i32
      %add3A_20 = vector.broadcast %mul3A_19 : i32 to vector<16xi32>
      %add3A_21 = arith.addi %add3A_20, %iota3A : vector<16xi32>
      %broadcast_in_dim3A_22 = arith.constant -1.000000e+00 : f32
      %broadcast_in_dim3A_23 = vector.broadcast %broadcast_in_dim3A_22 : f32 to vector<16xf32>
      %broadcast_in_dim3A_24 = arith.constant 0 : i32
      %broadcast_in_dim3A_25 = vector.broadcast %broadcast_in_dim3A_24 : i32 to vector<16xi32>
      %scan3A_26 = arith.constant 0 : i32
      %scan3A_27 = arith.constant 32 : i32
      %scan3A_28 = arith.addi %scan3A_26, %scan3A_27 : i32
      %scan3A_29 = arith.constant 1 : i32
      %scan3A_30:16 = scf.for %scan3A_48 = %scan3A_26 to %scan3A_28 step %scan3A_29 iter_args(%scan3A_49 = %broadcast_in_dim3A_23, %scan3A_50 = %broadcast_in_dim3A_23, %scan3A_51 = %broadcast_in_dim3A_23, %scan3A_52 = %broadcast_in_dim3A_23, %scan3A_53 = %broadcast_in_dim3A_23, %scan3A_54 = %broadcast_in_dim3A_23, %scan3A_55 = %broadcast_in_dim3A_23, %scan3A_56 = %broadcast_in_dim3A_23, %scan3A_57 = %broadcast_in_dim3A_25, %scan3A_58 = %broadcast_in_dim3A_25, %scan3A_59 = %broadcast_in_dim3A_25, %scan3A_60 = %broadcast_in_dim3A_25, %scan3A_61 = %broadcast_in_dim3A_25, %scan3A_62 = %broadcast_in_dim3A_25, %scan3A_63 = %broadcast_in_dim3A_25, %scan3A_64 = %broadcast_in_dim3A_25) -> (vector<16xf32>, vector<16xf32>, vector<16xf32>, vector<16xf32>, vector<16xf32>, vector<16xf32>, vector<16xf32>, vector<16xf32>, vector<16xi32>, vector<16xi32>, vector<16xi32>, vector<16xi32>, vector<16xi32>, vector<16xi32>, vector<16xi32>, vector<16xi32>)  : i32 {
        %mul3A_65 = arith.constant 2 : i32
        %mul3A_66 = arith.muli %scan3A_48, %mul3A_65 : i32
        %add3A_67 = arith.constant 0 : i32
        %add3A_68 = arith.addi %mul3A_66, %add3A_67 : i32
        %mul3A_69 = arith.constant 16 : i32
        %mul3A_70 = arith.muli %add3A_17, %mul3A_69 : i32
        %get3A = arith.index_cast %add3A_68 : i32 to index
        %get3A_71 = arith.index_cast %mul3A_70 : i32 to index
        %get3A_72 = tpu.vector_load %arg5[%get3A, %get3A_71] {strides = array<i32>} : memref<64x256xf32, #tpu.memory_space<vmem>>, vector<16xf32>,
        %broadcast_in_dim3A_73 = vector.broadcast %add3A_68 : i32 to vector<16xi32>
        %gt3A = arith.cmpf ogt, %get3A_72, %scan3A_49 : vector<16xf32>
        %select_n3A = arith.select %gt3A, %get3A_72, %scan3A_49 : vector<16xi1>, vector<16xf32>
        %select_n3A_74 = arith.select %gt3A, %broadcast_in_dim3A_73, %scan3A_57 : vector<16xi1>, vector<16xi32>
        %select_n3A_75 = arith.select %gt3A, %scan3A_49, %get3A_72 : vector<16xi1>, vector<16xf32>
        %select_n3A_76 = arith.select %gt3A, %scan3A_57, %broadcast_in_dim3A_73 : vector<16xi1>, vector<16xi32>
        %gt3A_77 = arith.cmpf ogt, %select_n3A_75, %scan3A_50 : vector<16xf32>
        %select_n3A_78 = arith.select %gt3A_77, %select_n3A_75, %scan3A_50 : vector<16xi1>, vector<16xf32>
        %select_n3A_79 = arith.select %gt3A_77, %select_n3A_76, %scan3A_58 : vector<16xi1>, vector<16xi32>
        %select_n3A_80 = arith.select %gt3A_77, %scan3A_50, %select_n3A_75 : vector<16xi1>, vector<16xf32>
        %select_n3A_81 = arith.select %gt3A_77, %scan3A_58, %select_n3A_76 : vector<16xi1>, vector<16xi32>
        %gt3A_82 = arith.cmpf ogt, %select_n3A_80, %scan3A_51 : vector<16xf32>
        %select_n3A_83 = arith.select %gt3A_82, %select_n3A_80, %scan3A_51 : vector<16xi1>, vector<16xf32>
        %select_n3A_84 = arith.select %gt3A_82, %select_n3A_81, %scan3A_59 : vector<16xi1>, vector<16xi32>
        %select_n3A_85 = arith.select %gt3A_82, %scan3A_51, %select_n3A_80 : vector<16xi1>, vector<16xf32>
        %select_n3A_86 = arith.select %gt3A_82, %scan3A_59, %select_n3A_81 : vector<16xi1>, vector<16xi32>
        %gt3A_87 = arith.cmpf ogt, %select_n3A_85, %scan3A_52 : vector<16xf32>
        %select_n3A_88 = arith.select %gt3A_87, %select_n3A_85, %scan3A_52 : vector<16xi1>, vector<16xf32>
        %select_n3A_89 = arith.select %gt3A_87, %select_n3A_86, %scan3A_60 : vector<16xi1>, vector<16xi32>
        %select_n3A_90 = arith.select %gt3A_87, %scan3A_52, %select_n3A_85 : vector<16xi1>, vector<16xf32>
        %select_n3A_91 = arith.select %gt3A_87, %scan3A_60, %select_n3A_86 : vector<16xi1>, vector<16xi32>
        %gt3A_92 = arith.cmpf ogt, %select_n3A_90, %scan3A_53 : vector<16xf32>
        %select_n3A_93 = arith.select %gt3A_92, %select_n3A_90, %scan3A_53 : vector<16xi1>, vector<16xf32>
        %select_n3A_94 = arith.select %gt3A_92, %select_n3A_91, %scan3A_61 : vector<16xi1>, vector<16xi32>
        %select_n3A_95 = arith.select %gt3A_92, %scan3A_53, %select_n3A_90 : vector<16xi1>, vector<16xf32>
        %select_n3A_96 = arith.select %gt3A_92, %scan3A_61, %select_n3A_91 : vector<16xi1>, vector<16xi32>
        %gt3A_97 = arith.cmpf ogt, %select_n3A_95, %scan3A_54 : vector<16xf32>
        %select_n3A_98 = arith.select %gt3A_97, %select_n3A_95, %scan3A_54 : vector<16xi1>, vector<16xf32>
        %select_n3A_99 = arith.select %gt3A_97, %select_n3A_96, %scan3A_62 : vector<16xi1>, vector<16xi32>
        %select_n3A_100 = arith.select %gt3A_97, %scan3A_54, %select_n3A_95 : vector<16xi1>, vector<16xf32>
        %select_n3A_101 = arith.select %gt3A_97, %scan3A_62, %select_n3A_96 : vector<16xi1>, vector<16xi32>
        %gt3A_102 = arith.cmpf ogt, %select_n3A_100, %scan3A_55 : vector<16xf32>
        %select_n3A_103 = arith.select %gt3A_102, %select_n3A_100, %scan3A_55 : vector<16xi1>, vector<16xf32>
        %select_n3A_104 = arith.select %gt3A_102, %select_n3A_101, %scan3A_63 : vector<16xi1>, vector<16xi32>
        %select_n3A_105 = arith.select %gt3A_102, %scan3A_55, %select_n3A_100 : vector<16xi1>, vector<16xf32>
        %select_n3A_106 = arith.select %gt3A_102, %scan3A_63, %select_n3A_101 : vector<16xi1>, vector<16xi32>
        %gt3A_107 = arith.cmpf ogt, %select_n3A_105, %scan3A_56 : vector<16xf32>
        %select_n3A_108 = arith.select %gt3A_107, %select_n3A_105, %scan3A_56 : vector<16xi1>, vector<16xf32>
        %select_n3A_109 = arith.select %gt3A_107, %select_n3A_106, %scan3A_64 : vector<16xi1>, vector<16xi32>
        %select_n3A_110 = arith.select %gt3A_107, %scan3A_56, %select_n3A_105 : vector<16xi1>, vector<16xf32>
        %select_n3A_111 = arith.select %gt3A_107, %scan3A_64, %select_n3A_106 : vector<16xi1>, vector<16xi32>
        %mul3A_112 = arith.constant 2 : i32
        %mul3A_113 = arith.muli %scan3A_48, %mul3A_112 : i32
        %add3A_114 = arith.constant 1 : i32
        %add3A_115 = arith.addi %mul3A_113, %add3A_114 : i32
        %mul3A_116 = arith.constant 16 : i32
        %mul3A_117 = arith.muli %add3A_17, %mul3A_116 : i32
        %get3A_118 = arith.index_cast %add3A_115 : i32 to index
        %get3A_119 = arith.index_cast %mul3A_117 : i32 to index
        %get3A_120 = tpu.vector_load %arg5[%get3A_118, %get3A_119] {strides = array<i32>} : memref<64x256xf32, #tpu.memory_space<vmem>>, vector<16xf32>,
        %broadcast_in_dim3A_121 = vector.broadcast %add3A_115 : i32 to vector<16xi32>
        %gt3A_122 = arith.cmpf ogt, %get3A_120, %select_n3A : vector<16xf32>
        %select_n3A_123 = arith.select %gt3A_122, %get3A_120, %select_n3A : vector<16xi1>, vector<16xf32>
        %select_n3A_124 = arith.select %gt3A_122, %broadcast_in_dim3A_121, %select_n3A_74 : vector<16xi1>, vector<16xi32>
        %select_n3A_125 = arith.select %gt3A_122, %select_n3A, %get3A_120 : vector<16xi1>, vector<16xf32>
        %select_n3A_126 = arith.select %gt3A_122, %select_n3A_74, %broadcast_in_dim3A_121 : vector<16xi1>, vector<16xi32>
        %gt3A_127 = arith.cmpf ogt, %select_n3A_125, %select_n3A_78 : vector<16xf32>
        %select_n3A_128 = arith.select %gt3A_127, %select_n3A_125, %select_n3A_78 : vector<16xi1>, vector<16xf32>
        %select_n3A_129 = arith.select %gt3A_127, %select_n3A_126, %select_n3A_79 : vector<16xi1>, vector<16xi32>
        %select_n3A_130 = arith.select %gt3A_127, %select_n3A_78, %select_n3A_125 : vector<16xi1>, vector<16xf32>
        %select_n3A_131 = arith.select %gt3A_127, %select_n3A_79, %select_n3A_126 : vector<16xi1>, vector<16xi32>
        %gt3A_132 = arith.cmpf ogt, %select_n3A_130, %select_n3A_83 : vector<16xf32>
        %select_n3A_133 = arith.select %gt3A_132, %select_n3A_130, %select_n3A_83 : vector<16xi1>, vector<16xf32>
        %select_n3A_134 = arith.select %gt3A_132, %select_n3A_131, %select_n3A_84 : vector<16xi1>, vector<16xi32>
        %select_n3A_135 = arith.select %gt3A_132, %select_n3A_83, %select_n3A_130 : vector<16xi1>, vector<16xf32>
        %select_n3A_136 = arith.select %gt3A_132, %select_n3A_84, %select_n3A_131 : vector<16xi1>, vector<16xi32>
        %gt3A_137 = arith.cmpf ogt, %select_n3A_135, %select_n3A_88 : vector<16xf32>
        %select_n3A_138 = arith.select %gt3A_137, %select_n3A_135, %select_n3A_88 : vector<16xi1>, vector<16xf32>
        %select_n3A_139 = arith.select %gt3A_137, %select_n3A_136, %select_n3A_89 : vector<16xi1>, vector<16xi32>
        %select_n3A_140 = arith.select %gt3A_137, %select_n3A_88, %select_n3A_135 : vector<16xi1>, vector<16xf32>
        %select_n3A_141 = arith.select %gt3A_137, %select_n3A_89, %select_n3A_136 : vector<16xi1>, vector<16xi32>
        %gt3A_142 = arith.cmpf ogt, %select_n3A_140, %select_n3A_93 : vector<16xf32>
        %select_n3A_143 = arith.select %gt3A_142, %select_n3A_140, %select_n3A_93 : vector<16xi1>, vector<16xf32>
        %select_n3A_144 = arith.select %gt3A_142, %select_n3A_141, %select_n3A_94 : vector<16xi1>, vector<16xi32>
        %select_n3A_145 = arith.select %gt3A_142, %select_n3A_93, %select_n3A_140 : vector<16xi1>, vector<16xf32>
        %select_n3A_146 = arith.select %gt3A_142, %select_n3A_94, %select_n3A_141 : vector<16xi1>, vector<16xi32>
        %gt3A_147 = arith.cmpf ogt, %select_n3A_145, %select_n3A_98 : vector<16xf32>
        %select_n3A_148 = arith.select %gt3A_147, %select_n3A_145, %select_n3A_98 : vector<16xi1>, vector<16xf32>
        %select_n3A_149 = arith.select %gt3A_147, %select_n3A_146, %select_n3A_99 : vector<16xi1>, vector<16xi32>
        %select_n3A_150 = arith.select %gt3A_147, %select_n3A_98, %select_n3A_145 : vector<16xi1>, vector<16xf32>
        %select_n3A_151 = arith.select %gt3A_147, %select_n3A_99, %select_n3A_146 : vector<16xi1>, vector<16xi32>
        %gt3A_152 = arith.cmpf ogt, %select_n3A_150, %select_n3A_103 : vector<16xf32>
        %select_n3A_153 = arith.select %gt3A_152, %select_n3A_150, %select_n3A_103 : vector<16xi1>, vector<16xf32>
        %select_n3A_154 = arith.select %gt3A_152, %select_n3A_151, %select_n3A_104 : vector<16xi1>, vector<16xi32>
        %select_n3A_155 = arith.select %gt3A_152, %select_n3A_103, %select_n3A_150 : vector<16xi1>, vector<16xf32>
        %select_n3A_156 = arith.select %gt3A_152, %select_n3A_104, %select_n3A_151 : vector<16xi1>, vector<16xi32>
        %gt3A_157 = arith.cmpf ogt, %select_n3A_155, %select_n3A_108 : vector<16xf32>
        %select_n3A_158 = arith.select %gt3A_157, %select_n3A_155, %select_n3A_108 : vector<16xi1>, vector<16xf32>
        %select_n3A_159 = arith.select %gt3A_157, %select_n3A_156, %select_n3A_109 : vector<16xi1>, vector<16xi32>
        %select_n3A_160 = arith.select %gt3A_157, %select_n3A_108, %select_n3A_155 : vector<16xi1>, vector<16xf32>
        %select_n3A_161 = arith.select %gt3A_157, %select_n3A_109, %select_n3A_156 : vector<16xi1>, vector<16xi32>
        scf.yield %select_n3A_123, %select_n3A_128, %select_n3A_133, %select_n3A_138, %select_n3A_143, %select_n3A_148, %select_n3A_153, %select_n3A_158, %select_n3A_124, %select_n3A_129, %select_n3A_134, %select_n3A_139, %select_n3A_144, %select_n3A_149, %select_n3A_154, %select_n3A_159 : vector<16xf32>, vector<16xf32>, vector<16xf32>, vector<16xf32>, vector<16xf32>, vector<16xf32>, vector<16xf32>, vector<16xf32>, vector<16xi32>, vector<16xi32>, vector<16xi32>, vector<16xi32>, vector<16xi32>, vector<16xi32>, vector<16xi32>, vector<16xi32>
      }
      %scan3A_31 = arith.constant 32 : i32
      tpu.vector_store_idx %arg6[%add3A_21, %scan3A_30#8], %scan3A_30#0 : memref<256x64xf32, #tpu.memory_space<vmem>>[vector<16xi32>, vector<16xi32>], vector<16xf32>,
      %broadcast_in_dim3A_32 = arith.constant 0 : i32
      %broadcast_in_dim3A_33 = vector.broadcast %broadcast_in_dim3A_32 : i32 to vector<16xi32>
      tpu.vector_store_idx %arg7[%add3A_21, %broadcast_in_dim3A_33], %scan3A_30#8 : memref<256x8xi32, #tpu.memory_space<vmem>>[vector<16xi32>, vector<16xi32>], vector<16xi32>,
      tpu.vector_store_idx %arg6[%add3A_21, %scan3A_30#9], %scan3A_30#1 : memref<256x64xf32, #tpu.memory_space<vmem>>[vector<16xi32>, vector<16xi32>], vector<16xf32>,
      %broadcast_in_dim3A_34 = arith.constant 1 : i32
      %broadcast_in_dim3A_35 = vector.broadcast %broadcast_in_dim3A_34 : i32 to vector<16xi32>
      tpu.vector_store_idx %arg7[%add3A_21, %broadcast_in_dim3A_35], %scan3A_30#9 : memref<256x8xi32, #tpu.memory_space<vmem>>[vector<16xi32>, vector<16xi32>], vector<16xi32>,
      tpu.vector_store_idx %arg6[%add3A_21, %scan3A_30#10], %scan3A_30#2 : memref<256x64xf32, #tpu.memory_space<vmem>>[vector<16xi32>, vector<16xi32>], vector<16xf32>,
      %broadcast_in_dim3A_36 = arith.constant 2 : i32
      %broadcast_in_dim3A_37 = vector.broadcast %broadcast_in_dim3A_36 : i32 to vector<16xi32>
      tpu.vector_store_idx %arg7[%add3A_21, %broadcast_in_dim3A_37], %scan3A_30#10 : memref<256x8xi32, #tpu.memory_space<vmem>>[vector<16xi32>, vector<16xi32>], vector<16xi32>,
      tpu.vector_store_idx %arg6[%add3A_21, %scan3A_30#11], %scan3A_30#3 : memref<256x64xf32, #tpu.memory_space<vmem>>[vector<16xi32>, vector<16xi32>], vector<16xf32>,
      %broadcast_in_dim3A_38 = arith.constant 3 : i32
      %broadcast_in_dim3A_39 = vector.broadcast %broadcast_in_dim3A_38 : i32 to vector<16xi32>
      tpu.vector_store_idx %arg7[%add3A_21, %broadcast_in_dim3A_39], %scan3A_30#11 : memref<256x8xi32, #tpu.memory_space<vmem>>[vector<16xi32>, vector<16xi32>], vector<16xi32>,
      tpu.vector_store_idx %arg6[%add3A_21, %scan3A_30#12], %scan3A_30#4 : memref<256x64xf32, #tpu.memory_space<vmem>>[vector<16xi32>, vector<16xi32>], vector<16xf32>,
      %broadcast_in_dim3A_40 = arith.constant 4 : i32
      %broadcast_in_dim3A_41 = vector.broadcast %broadcast_in_dim3A_40 : i32 to vector<16xi32>
      tpu.vector_store_idx %arg7[%add3A_21, %broadcast_in_dim3A_41], %scan3A_30#12 : memref<256x8xi32, #tpu.memory_space<vmem>>[vector<16xi32>, vector<16xi32>], vector<16xi32>,
      tpu.vector_store_idx %arg6[%add3A_21, %scan3A_30#13], %scan3A_30#5 : memref<256x64xf32, #tpu.memory_space<vmem>>[vector<16xi32>, vector<16xi32>], vector<16xf32>,
      %broadcast_in_dim3A_42 = arith.constant 5 : i32
      %broadcast_in_dim3A_43 = vector.broadcast %broadcast_in_dim3A_42 : i32 to vector<16xi32>
      tpu.vector_store_idx %arg7[%add3A_21, %broadcast_in_dim3A_43], %scan3A_30#13 : memref<256x8xi32, #tpu.memory_space<vmem>>[vector<16xi32>, vector<16xi32>], vector<16xi32>,
      tpu.vector_store_idx %arg6[%add3A_21, %scan3A_30#14], %scan3A_30#6 : memref<256x64xf32, #tpu.memory_space<vmem>>[vector<16xi32>, vector<16xi32>], vector<16xf32>,
      %broadcast_in_dim3A_44 = arith.constant 6 : i32
      %broadcast_in_dim3A_45 = vector.broadcast %broadcast_in_dim3A_44 : i32 to vector<16xi32>
      tpu.vector_store_idx %arg7[%add3A_21, %broadcast_in_dim3A_45], %scan3A_30#14 : memref<256x8xi32, #tpu.memory_space<vmem>>[vector<16xi32>, vector<16xi32>], vector<16xi32>,
      tpu.vector_store_idx %arg6[%add3A_21, %scan3A_30#15], %scan3A_30#7 : memref<256x64xf32, #tpu.memory_space<vmem>>[vector<16xi32>, vector<16xi32>], vector<16xf32>,
      %broadcast_in_dim3A_46 = arith.constant 7 : i32
      %broadcast_in_dim3A_47 = vector.broadcast %broadcast_in_dim3A_46 : i32 to vector<16xi32>
      tpu.vector_store_idx %arg7[%add3A_21, %broadcast_in_dim3A_47], %scan3A_30#15 : memref<256x8xi32, #tpu.memory_space<vmem>>[vector<16xi32>, vector<16xi32>], vector<16xi32>,
    }
    %scan3A_12 = arith.constant 16 : i32
    "tpu.region"() ({
      %run_scoped3A = tpu.sem_alloc : memref<!tpu.dma_semaphore, #tpu.memory_space<semaphore_mem>>
      %dma_start3A = arith.constant 0 : i32
      %dma_start3A_13 = tpu.memref_slice %arg3[%mul3A_2, %dma_start3A] : memref<8192x64xf32, #tpu.memory_space<hbm>> -> memref<256x64xf32, #tpu.memory_space<hbm>>
      %dma_start3A_14 = arith.constant 0 : i32
      %dma_start3A_15 = tpu.memref_slice %arg3[%mul3A_2, %dma_start3A_14] : memref<8192x64xf32, #tpu.memory_space<hbm>> -> memref<256x64xf32, #tpu.memory_space<hbm>>
      tpu.enqueue_dma source(%arg6 : memref<256x64xf32, #tpu.memory_space<vmem>>) target(%dma_start3A_15 : memref<256x64xf32, #tpu.memory_space<hbm>>) target_semaphore(%run_scoped3A : memref<!tpu.dma_semaphore, #tpu.memory_space<semaphore_mem>>)
      %dma_wait3A = arith.constant 0 : i32
      %dma_wait3A_16 = tpu.memref_slice %arg3[%mul3A_2, %dma_wait3A] : memref<8192x64xf32, #tpu.memory_space<hbm>> -> memref<256x64xf32, #tpu.memory_space<hbm>>
      %dma_wait3A_17 = arith.constant 0 : i32
      %dma_wait3A_18 = tpu.memref_slice %arg3[%mul3A_2, %dma_wait3A_17] : memref<8192x64xf32, #tpu.memory_space<hbm>> -> memref<256x64xf32, #tpu.memory_space<hbm>>
      tpu.wait_dma2 semaphore(%run_scoped3A : memref<!tpu.dma_semaphore, #tpu.memory_space<semaphore_mem>>) src(%arg6 : memref<256x64xf32, #tpu.memory_space<vmem>>) dst(%dma_wait3A_18 : memref<256x64xf32, #tpu.memory_space<hbm>>)
      tpu.yield
    }) : () -> ()
    "tpu.region"() ({
      %run_scoped3A = tpu.sem_alloc : memref<!tpu.dma_semaphore, #tpu.memory_space<semaphore_mem>>
      %dma_start3A = arith.constant 0 : i32
      %dma_start3A_13 = tpu.memref_slice %arg4[%mul3A_2, %dma_start3A] : memref<8192x8xi32, #tpu.memory_space<hbm>> -> memref<256x8xi32, #tpu.memory_space<hbm>>
      %dma_start3A_14 = arith.constant 0 : i32
      %dma_start3A_15 = tpu.memref_slice %arg4[%mul3A_2, %dma_start3A_14] : memref<8192x8xi32, #tpu.memory_space<hbm>> -> memref<256x8xi32, #tpu.memory_space<hbm>>
      tpu.enqueue_dma source(%arg7 : memref<256x8xi32, #tpu.memory_space<vmem>>) target(%dma_start3A_15 : memref<256x8xi32, #tpu.memory_space<hbm>>) target_semaphore(%run_scoped3A : memref<!tpu.dma_semaphore, #tpu.memory_space<semaphore_mem>>)
      %dma_wait3A = arith.constant 0 : i32
      %dma_wait3A_16 = tpu.memref_slice %arg4[%mul3A_2, %dma_wait3A] : memref<8192x8xi32, #tpu.memory_space<hbm>> -> memref<256x8xi32, #tpu.memory_space<hbm>>
      %dma_wait3A_17 = arith.constant 0 : i32
      %dma_wait3A_18 = tpu.memref_slice %arg4[%mul3A_2, %dma_wait3A_17] : memref<8192x8xi32, #tpu.memory_space<hbm>> -> memref<256x8xi32, #tpu.memory_space<hbm>>
      tpu.wait_dma2 semaphore(%run_scoped3A : memref<!tpu.dma_semaphore, #tpu.memory_space<semaphore_mem>>) src(%arg7 : memref<256x8xi32, #tpu.memory_space<vmem>>) dst(%dma_wait3A_18 : memref<256x8xi32, #tpu.memory_space<hbm>>)
      tpu.yield
    }) : () -> ()
    return
  }
}

module attributes {stable_mosaic.version = 14 : i64} {
  func.func @_gate_block(%arg0: i32, %arg1: memref<512x4x1024xf32, #tpu.memory_space<vmem>>, %arg2: memref<1024x4096xf32, #tpu.memory_space<vmem>>, %arg3: memref<1x1024xf32, #tpu.memory_space<vmem>>, %arg4: memref<64x1024xf32, #tpu.memory_space<vmem>>, %arg5: memref<64x1xf32, #tpu.memory_space<vmem>>, %arg6: memref<2x64x256xf32, #tpu.memory_space<vmem>>) attributes {dimension_semantics = [#tpu.dimension_semantics<arbitrary>], iteration_bounds = array<i64: 16>, scalar_prefetch = 0 : i64, scratch_operands = 0 : i64, tpu.core_type = #tpu.core_type<tc>, window_params = [{transform_indices = @transform_0, window_bounds = array<i64: 512, 4, 1024>}, {pipeline_mode = #tpu.pipeline_mode<synchronous>, transform_indices = @transform_1, window_bounds = array<i64: 1024, 4096>}, {pipeline_mode = #tpu.pipeline_mode<synchronous>, transform_indices = @transform_2, window_bounds = array<i64: 1, 1024>}, {pipeline_mode = #tpu.pipeline_mode<synchronous>, transform_indices = @transform_3, window_bounds = array<i64: 64, 1024>}, {pipeline_mode = #tpu.pipeline_mode<synchronous>, transform_indices = @transform_4, window_bounds = array<i64: 64, 1>}, {transform_indices = @transform_5, window_bounds = array<i64: 2, 64, 256>}]} {
    %get3A = arith.constant 0 : index
    %get3A_0 = arith.constant 0 : index
    %get3A_1 = arith.constant 0 : index
    %get3A_2 = vector.load %arg1[%get3A, %get3A_0, %get3A_1] : memref<512x4x1024xf32, #tpu.memory_space<vmem>>, vector<512x1x1024xf32>
    %get3A_3 = vector.shape_cast %get3A_2 : vector<512x1x1024xf32> to vector<512x1024xf32>
    %get3A_4 = arith.constant 0 : index
    %get3A_5 = arith.constant 0 : index
    %get3A_6 = vector.load %arg2[%get3A_4, %get3A_5] : memref<1024x4096xf32, #tpu.memory_space<vmem>>, vector<1024x1024xf32>
    %dot_general3A = arith.constant dense<0.000000e+00> : vector<512x1024xf32>
    %dot_general3A_7 = tpu.matmul %get3A_3, %get3A_6, %dot_general3A {dimension_numbers = #tpu.dot_dimension_numbers<[1], [1], [0], [0], [0, 0, 1, 0], [], []>, transpose_lhs_hint = false} : vector<512x1024xf32>, vector<1024x1024xf32>, vector<512x1024xf32> -> vector<512x1024xf32>
    %get3A_8 = arith.constant 0 : index
    %get3A_9 = arith.constant 1 : index
    %get3A_10 = arith.constant 0 : index
    %get3A_11 = vector.load %arg1[%get3A_8, %get3A_9, %get3A_10] : memref<512x4x1024xf32, #tpu.memory_space<vmem>>, vector<512x1x1024xf32>
    %get3A_12 = vector.shape_cast %get3A_11 : vector<512x1x1024xf32> to vector<512x1024xf32>
    %get3A_13 = arith.constant 0 : index
    %get3A_14 = arith.constant 1024 : index
    %get3A_15 = vector.load %arg2[%get3A_13, %get3A_14] : memref<1024x4096xf32, #tpu.memory_space<vmem>>, vector<1024x1024xf32>
    %dot_general3A_16 = arith.constant dense<0.000000e+00> : vector<512x1024xf32>
    %dot_general3A_17 = tpu.matmul %get3A_12, %get3A_15, %dot_general3A_16 {dimension_numbers = #tpu.dot_dimension_numbers<[1], [1], [0], [0], [0, 0, 1, 0], [], []>, transpose_lhs_hint = false} : vector<512x1024xf32>, vector<1024x1024xf32>, vector<512x1024xf32> -> vector<512x1024xf32>
    %add3A = arith.addf %dot_general3A_7, %dot_general3A_17 : vector<512x1024xf32>
    %get3A_18 = arith.constant 0 : index
    %get3A_19 = arith.constant 2 : index
    %get3A_20 = arith.constant 0 : index
    %get3A_21 = vector.load %arg1[%get3A_18, %get3A_19, %get3A_20] : memref<512x4x1024xf32, #tpu.memory_space<vmem>>, vector<512x1x1024xf32>
    %get3A_22 = vector.shape_cast %get3A_21 : vector<512x1x1024xf32> to vector<512x1024xf32>
    %get3A_23 = arith.constant 0 : index
    %get3A_24 = arith.constant 2048 : index
    %get3A_25 = vector.load %arg2[%get3A_23, %get3A_24] : memref<1024x4096xf32, #tpu.memory_space<vmem>>, vector<1024x1024xf32>
    %dot_general3A_26 = arith.constant dense<0.000000e+00> : vector<512x1024xf32>
    %dot_general3A_27 = tpu.matmul %get3A_22, %get3A_25, %dot_general3A_26 {dimension_numbers = #tpu.dot_dimension_numbers<[1], [1], [0], [0], [0, 0, 1, 0], [], []>, transpose_lhs_hint = false} : vector<512x1024xf32>, vector<1024x1024xf32>, vector<512x1024xf32> -> vector<512x1024xf32>
    %add3A_28 = arith.addf %add3A, %dot_general3A_27 : vector<512x1024xf32>
    %get3A_29 = arith.constant 0 : index
    %get3A_30 = arith.constant 3 : index
    %get3A_31 = arith.constant 0 : index
    %get3A_32 = vector.load %arg1[%get3A_29, %get3A_30, %get3A_31] : memref<512x4x1024xf32, #tpu.memory_space<vmem>>, vector<512x1x1024xf32>
    %get3A_33 = vector.shape_cast %get3A_32 : vector<512x1x1024xf32> to vector<512x1024xf32>
    %get3A_34 = arith.constant 0 : index
    %get3A_35 = arith.constant 3072 : index
    %get3A_36 = vector.load %arg2[%get3A_34, %get3A_35] : memref<1024x4096xf32, #tpu.memory_space<vmem>>, vector<1024x1024xf32>
    %dot_general3A_37 = arith.constant dense<0.000000e+00> : vector<512x1024xf32>
    %dot_general3A_38 = tpu.matmul %get3A_33, %get3A_36, %dot_general3A_37 {dimension_numbers = #tpu.dot_dimension_numbers<[1], [1], [0], [0], [0, 0, 1, 0], [], []>, transpose_lhs_hint = false} : vector<512x1024xf32>, vector<1024x1024xf32>, vector<512x1024xf32> -> vector<512x1024xf32>
    %add3A_39 = arith.addf %add3A_28, %dot_general3A_38 : vector<512x1024xf32>
    %get3A_40 = arith.constant 0 : index
    %get3A_41 = arith.constant 0 : index
    %get3A_42 = vector.load %arg3[%get3A_40, %get3A_41] : memref<1x1024xf32, #tpu.memory_space<vmem>>, vector<1x1024xf32>
    %add3A_43 = vector.broadcast %get3A_42 : vector<1x1024xf32> to vector<512x1024xf32>
    %add3A_44 = arith.addf %add3A_39, %add3A_43 : vector<512x1024xf32>
    %max3A = arith.constant 0.000000e+00 : f32
    %max3A_45 = vector.broadcast %max3A : f32 to vector<512x1024xf32>
    %max3A_46 = arith.maximumf %add3A_44, %max3A_45 : vector<512x1024xf32>
    %slice3A = vector.extract_strided_slice %max3A_46 {offsets = [0, 0], sizes = [256, 1024], strides = [1, 1]} : vector<512x1024xf32> to vector<256x1024xf32>
    %get3A_47 = arith.constant 0 : index
    %get3A_48 = arith.constant 0 : index
    %get3A_49 = vector.load %arg4[%get3A_47, %get3A_48] : memref<64x1024xf32, #tpu.memory_space<vmem>>, vector<64x1024xf32>
    %dot_general3A_50 = arith.constant dense<0.000000e+00> : vector<64x256xf32>
    %dot_general3A_51 = tpu.matmul %get3A_49, %slice3A, %dot_general3A_50 {dimension_numbers = #tpu.dot_dimension_numbers<[1], [1], [0], [0], [0, 0, 1, 0], [], []>, transpose_lhs_hint = false} : vector<64x1024xf32>, vector<256x1024xf32>, vector<64x256xf32> -> vector<64x256xf32>
    %get3A_52 = arith.constant 0 : index
    %get3A_53 = arith.constant 0 : index
    %get3A_54 = vector.load %arg5[%get3A_52, %get3A_53] : memref<64x1xf32, #tpu.memory_space<vmem>>, vector<64x1xf32>
    %add3A_55 = vector.broadcast %get3A_54 : vector<64x1xf32> to vector<64x256xf32>
    %add3A_56 = arith.addf %dot_general3A_51, %add3A_55 : vector<64x256xf32>
    %reduce_max3A = arith.constant dense<0xFF800000> : vector<256xf32>
    %reduce_max3A_57 = vector.multi_reduction <maximumf>, %add3A_56, %reduce_max3A [0] : vector<64x256xf32> to vector<256xf32>
    %broadcast_in_dim3A = vector.shape_cast %reduce_max3A_57 : vector<256xf32> to vector<1x256xf32>
    %sub3A = vector.broadcast %broadcast_in_dim3A : vector<1x256xf32> to vector<64x256xf32>
    %sub3A_58 = arith.subf %add3A_56, %sub3A : vector<64x256xf32>
    %exp3A = math.exp %sub3A_58 : vector<64x256xf32>
    %reduce_sum3A = arith.constant dense<0.000000e+00> : vector<256xf32>
    %reduce_sum3A_59 = vector.multi_reduction <add>, %exp3A, %reduce_sum3A [0] : vector<64x256xf32> to vector<256xf32>
    %broadcast_in_dim3A_60 = vector.shape_cast %reduce_sum3A_59 : vector<256xf32> to vector<1x256xf32>
    %div3A = vector.broadcast %broadcast_in_dim3A_60 : vector<1x256xf32> to vector<64x256xf32>
    %div3A_61 = arith.divf %exp3A, %div3A : vector<64x256xf32>
    %swap3A = arith.constant 0 : index
    %swap3A_62 = arith.constant 0 : index
    %swap3A_63 = arith.constant 0 : index
    %swap3A_64 = vector.load %arg6[%swap3A, %swap3A_62, %swap3A_63] : memref<2x64x256xf32, #tpu.memory_space<vmem>>, vector<1x64x256xf32>
    %swap3A_65 = vector.shape_cast %swap3A_64 : vector<1x64x256xf32> to vector<64x256xf32>
    %swap3A_66 = vector.shape_cast %div3A_61 : vector<64x256xf32> to vector<1x64x256xf32>
    tpu.vector_store %arg6[%swap3A, %swap3A_62, %swap3A_63], %swap3A_66 {strides = array<i32>} : memref<2x64x256xf32, #tpu.memory_space<vmem>>, vector<1x64x256xf32>,
    %slice3A_67 = vector.extract_strided_slice %max3A_46 {offsets = [256, 0], sizes = [256, 1024], strides = [1, 1]} : vector<512x1024xf32> to vector<256x1024xf32>
    %get3A_68 = arith.constant 0 : index
    %get3A_69 = arith.constant 0 : index
    %get3A_70 = vector.load %arg4[%get3A_68, %get3A_69] : memref<64x1024xf32, #tpu.memory_space<vmem>>, vector<64x1024xf32>
    %dot_general3A_71 = arith.constant dense<0.000000e+00> : vector<64x256xf32>
    %dot_general3A_72 = tpu.matmul %get3A_70, %slice3A_67, %dot_general3A_71 {dimension_numbers = #tpu.dot_dimension_numbers<[1], [1], [0], [0], [0, 0, 1, 0], [], []>, transpose_lhs_hint = false} : vector<64x1024xf32>, vector<256x1024xf32>, vector<64x256xf32> -> vector<64x256xf32>
    %get3A_73 = arith.constant 0 : index
    %get3A_74 = arith.constant 0 : index
    %get3A_75 = vector.load %arg5[%get3A_73, %get3A_74] : memref<64x1xf32, #tpu.memory_space<vmem>>, vector<64x1xf32>
    %add3A_76 = vector.broadcast %get3A_75 : vector<64x1xf32> to vector<64x256xf32>
    %add3A_77 = arith.addf %dot_general3A_72, %add3A_76 : vector<64x256xf32>
    %reduce_max3A_78 = arith.constant dense<0xFF800000> : vector<256xf32>
    %reduce_max3A_79 = vector.multi_reduction <maximumf>, %add3A_77, %reduce_max3A_78 [0] : vector<64x256xf32> to vector<256xf32>
    %broadcast_in_dim3A_80 = vector.shape_cast %reduce_max3A_79 : vector<256xf32> to vector<1x256xf32>
    %sub3A_81 = vector.broadcast %broadcast_in_dim3A_80 : vector<1x256xf32> to vector<64x256xf32>
    %sub3A_82 = arith.subf %add3A_77, %sub3A_81 : vector<64x256xf32>
    %exp3A_83 = math.exp %sub3A_82 : vector<64x256xf32>
    %reduce_sum3A_84 = arith.constant dense<0.000000e+00> : vector<256xf32>
    %reduce_sum3A_85 = vector.multi_reduction <add>, %exp3A_83, %reduce_sum3A_84 [0] : vector<64x256xf32> to vector<256xf32>
    %broadcast_in_dim3A_86 = vector.shape_cast %reduce_sum3A_85 : vector<256xf32> to vector<1x256xf32>
    %div3A_87 = vector.broadcast %broadcast_in_dim3A_86 : vector<1x256xf32> to vector<64x256xf32>
    %div3A_88 = arith.divf %exp3A_83, %div3A_87 : vector<64x256xf32>
    %swap3A_89 = arith.constant 1 : index
    %swap3A_90 = arith.constant 0 : index
    %swap3A_91 = arith.constant 0 : index
    %swap3A_92 = vector.load %arg6[%swap3A_89, %swap3A_90, %swap3A_91] : memref<2x64x256xf32, #tpu.memory_space<vmem>>, vector<1x64x256xf32>
    %swap3A_93 = vector.shape_cast %swap3A_92 : vector<1x64x256xf32> to vector<64x256xf32>
    %swap3A_94 = vector.shape_cast %div3A_88 : vector<64x256xf32> to vector<1x64x256xf32>
    tpu.vector_store %arg6[%swap3A_89, %swap3A_90, %swap3A_91], %swap3A_94 {strides = array<i32>} : memref<2x64x256xf32, #tpu.memory_space<vmem>>, vector<1x64x256xf32>,
    return
  }
  func.func @transform_0(%arg0: i32) -> (i32, i32, i32) {
    %add3A = arith.constant 0 : i32
    %add3A_0 = arith.addi %arg0, %add3A : i32
    %c0_i32 = arith.constant 0 : i32
    %c0_i32_1 = arith.constant 0 : i32
    %c0_i32_2 = arith.constant 0 : i32
    return %add3A_0, %c0_i32, %c0_i32_1 : i32, i32, i32
  }
  func.func @transform_1(%arg0: i32) -> (i32, i32) {
    %c0_i32 = arith.constant 0 : i32
    %c0_i32_0 = arith.constant 0 : i32
    %c0_i32_1 = arith.constant 0 : i32
    return %c0_i32, %c0_i32_0 : i32, i32
  }
  func.func @transform_2(%arg0: i32) -> (i32, i32) {
    %c0_i32 = arith.constant 0 : i32
    %c0_i32_0 = arith.constant 0 : i32
    %c0_i32_1 = arith.constant 0 : i32
    return %c0_i32, %c0_i32_0 : i32, i32
  }
  func.func @transform_3(%arg0: i32) -> (i32, i32) {
    %c0_i32 = arith.constant 0 : i32
    %c0_i32_0 = arith.constant 0 : i32
    %c0_i32_1 = arith.constant 0 : i32
    return %c0_i32, %c0_i32_0 : i32, i32
  }
  func.func @transform_4(%arg0: i32) -> (i32, i32) {
    %c0_i32 = arith.constant 0 : i32
    %c0_i32_0 = arith.constant 0 : i32
    %c0_i32_1 = arith.constant 0 : i32
    return %c0_i32, %c0_i32_0 : i32, i32
  }
  func.func @transform_5(%arg0: i32) -> (i32, i32, i32) {
    %c0_i32 = arith.constant 0 : i32
    %c0_i32_0 = arith.constant 0 : i32
    %c0_i32_1 = arith.constant 0 : i32
    return %arg0, %c0_i32, %c0_i32_0 : i32, i32, i32
  }
}

</mosaic_0001>

<sc_bundles>
// kernel: kernel.4.cloned.1.call-start
scs
__scs_entry_jumppad:
0x0: {  	(pc) =	sbr.rel $0x88, $3  }
0x1: {  	(tag) =	ssettag $0x0;
	lr =	simm.s32 $0x1  }
0x2: {  	[smem:$0x3F9C] =	sst lr;
	_ =	strace $0xD0000000  }
0x3: {  	_ = 	snop  }
0x4: {  	_ = 	snop  }
0x5: {  	_ = 	snop  }
0x6: {  	_ = 	snop  }
0x7: {  	_ = 	snop  }
__scs_overlays_trampoline_lowered:
0x8: {  	[smem:$0x3FAB] =	sst s0  }
0x9: {  	[smem:$0x3FAC] =	sst s1  }
0xa: {  	[smem:$0x3FAD] =	sst s2  }
0xb: {  	[smem:$0x3FAE] =	sst s3  }
0xc: {  	[smem:$0x3FAF] =	sst s4  }
0xd: {  	[smem:$0x3FB0] =	sst s5  }
0xe: {  	[smem:$0x3FB1] =	sst s6  }
0xf: {  	[smem:$0x3FB2] =	sst s7  }
0x10: {  	[smem:$0x3FB3] =	sst s8  }
0x11: {  	[smem:$0x3FB4] =	sst s9;
	s0 =	simm.s32 @!p0 $0x0  }
0x12: {  	s1 =	sld [smem:$0x3F9A];
	s0 =	simm.s32 @p0 $0x1  }
0x13: {  	[smem:$0x3FB5] =	sst s0;
	s0 =	simm.s32 @!p1 $0x0  }
0x14: {  	s2 =	sld [smem:$0x3F99];
	s0 =	simm.s32 @p1 $0x1  }
0x15: {  	[smem:$0x3FB6] =	sst s0;
	s0 =	simm.s32 @!p2 $0x0  }
0x16: {  	s3 =	sld [smem:$0x3FDB];
	s0 =	simm.s32 @p2 $0x1  }
0x17: {  	s4 =	simm.s32 $0x1BF5;
	[smem:$0x3FB8] =	sst s0  }
0x18: {  	s0 =	sld [smem:$0x3F9B];
	_ =	swait.ge [sflag:s4], $0x0  }
0x19: {  	s7 =	sld [smem:$0x3F9C]  }
0x1a: {  	s8 =	sadd.s32 $0xFFFFE003, lr  }
0x1b: {  	s9 =	sadd.s32 $0xFFFFFEF7, lr;
	s5 =	simm.s32 $0xFFFFFFFF;
	p2 =	slt.u32 s8, $0xFFFFF086  }
0x1c: {  	p1 =	slt.u32 s9, $0xF7A;
	s5 =	simm.s32 @!p2 $0x0  }
0x1d: {  	s5 =	simm.s32 @p1 $0x1;
	p0 =	seq.s32 s7, s2  }
0x1e: {  	s7 =	smul.u32 @!p0 $0xF7A, s2;
	p2 =	seq.s32 @!p0 s5, $0x0  }
0x1f: {  	s9 =	smul.u32 $0xF7A, s1;
	s8 =	simm.s32 @!p0 $0x1BF5;
	p2 =	por !p2, p0  }
0x20: {  	[sflag:s8] =	ssyncset.s32 @!p0 $0xFFFFF086;
	s6 =	sadd.s32 @!p0 s3, s7;
	s7 =	simm.s32 @!p0 $0x108  }
0x21: {  	s3 =	sadd.s32 s3, s9;
	s6 =	sadd.s32 @!p0 $0x88, s6;
	s7 =	simm.s32 @p2 $0x1082  }
0x22: {  	[simem:s7], [sflag:s8] =	dma.local @!p0 [hbm:s6], $0xF7A  }
0x23: {  	s9 =	sor.u32 $0xD0000000, s2;
	s6 =	simm.s32 $0x108;
	_ =	swait.ge @!p0 [sflag:s8], $0x0  }
0x24: {  	s3 =	sadd.s32 $0x88, s3;
	s6 =	simm.s32 @!p1 $0x1082;
	[sflag:s4] =	ssyncset.s32 $0xFFFFF086  }
0x25: {  	[simem:s6], [sflag:s4] =	dma.local [hbm:s3], $0xF7A  }
0x26: {  	[smem:$0x3F9C] =	sst s1;
	(tag) =	ssettag s2;
	_ =	strace s9  }
0x27: {  	s1 =	sld [smem:$0x3FAC]  }
0x28: {  	s2 =	sld [smem:$0x3FAD]  }
0x29: {  	s4 =	sld [smem:$0x3FAF]  }
0x2a: {  	p0 =	seq.s32 s5, $0x0;
	s5 =	sld [smem:$0x3FB0]  }
0x2b: {  	s6 =	sld [smem:$0x3FB1]  }
0x2c: {  	s7 =	sld [smem:$0x3FB2]  }
0x2d: {  	s3 =	simm.s32 $0x108;
	s8 =	sld [smem:$0x3FB3]  }
0x2e: {  	s3 =	simm.s32 @!p0 $0x1082;
	s9 =	sld [smem:$0x3FB4]  }
0x2f: {  	lr =	sadd.s32 s0, s3;
	s0 =	sld [smem:$0x3FAB]  }
0x30: {  	s3 =	sld [smem:$0x3FAE]  }
0x31: {  	[smem:$0x3FB7] =	sst s10  }
0x32: {  	s10 =	sld [smem:$0x3FB5];
	_ =	sdelay $0x3  }
0x33: {  	p0 =	seq.s32 s10, $0x1;
	s10 =	sld [smem:$0x3FB7];
	_ =	sdelay $0x3  }
0x34: {  	[smem:$0x3FB7] =	sst s10  }
0x35: {  	s10 =	sld [smem:$0x3FB6];
	_ =	sdelay $0x3  }
0x36: {  	p1 =	seq.s32 s10, $0x1;
	s10 =	sld [smem:$0x3FB7];
	_ =	sdelay $0x3  }
0x37: {  	[smem:$0x3FB7] =	sst s10  }
0x38: {  	s10 =	sld [smem:$0x3FB8]  }
0x39: {  	_ = 	snop;
	(pc) =	sbr.ind lr, $3  }
0x3a: {  	_ = 	snop  }
0x3b: {  	_ = 	snop  }
0x3c: {  	p2 =	seq.s32 s10, $0x1;
	s10 =	sld [smem:$0x3FB7]  }
0x3d: {  	_ =	shalt  }
0x3e: {  	_ =	shalt  }
0x3f: {  	_ =	shalt  }
0x40: {  	_ =	shalt  }
0x41: {  	_ =	shalt  }
0x42: {  	_ =	shalt  }
0x43: {  	_ =	shalt  }
0x44: {  	_ =	shalt  }
0x45: {  	_ =	shalt  }
0x46: {  	_ =	shalt  }
0x47: {  	_ =	shalt  }
0x48: {  	_ =	shalt  }
0x49: {  	_ =	shalt  }
0x4a: {  	_ =	shalt  }
0x4b: {  	_ =	shalt  }
0x4c: {  	_ =	shalt  }
0x4d: {  	_ =	shalt  }
0x4e: {  	_ =	shalt  }
0x4f: {  	_ =	shalt  }
0x50: {  	_ =	shalt  }
0x51: {  	_ =	shalt  }
0x52: {  	_ =	shalt  }
0x53: {  	_ =	shalt  }
0x54: {  	_ =	shalt  }
0x55: {  	_ =	shalt  }
0x56: {  	_ =	shalt  }
0x57: {  	_ =	shalt  }
0x58: {  	_ =	shalt  }
0x59: {  	_ =	shalt  }
0x5a: {  	_ =	shalt  }
0x5b: {  	_ =	shalt  }
0x5c: {  	_ =	shalt  }
0x5d: {  	_ =	shalt  }
0x5e: {  	_ =	shalt  }
0x5f: {  	_ =	shalt  }
0x60: {  	_ =	shalt  }
0x61: {  	_ =	shalt  }
0x62: {  	_ =	shalt  }
0x63: {  	_ =	shalt  }
0x64: {  	_ =	shalt  }
0x65: {  	_ =	shalt  }
0x66: {  	_ =	shalt  }
0x67: {  	_ =	shalt  }
0x68: {  	_ =	shalt  }
0x69: {  	_ =	shalt  }
0x6a: {  	_ =	shalt  }
0x6b: {  	_ =	shalt  }
0x6c: {  	_ =	shalt  }
0x6d: {  	_ =	shalt  }
0x6e: {  	_ =	shalt  }
0x6f: {  	_ =	shalt  }
0x70: {  	_ =	shalt  }
0x71: {  	_ =	shalt  }
0x72: {  	_ =	shalt  }
0x73: {  	_ =	shalt  }
0x74: {  	_ =	shalt  }
0x75: {  	_ =	shalt  }
0x76: {  	_ =	shalt  }
0x77: {  	_ =	shalt  }
0x78: {  	_ =	shalt  }
0x79: {  	_ =	shalt  }
0x7a: {  	_ =	shalt  }
0x7b: {  	_ =	shalt  }
0x7c: {  	_ =	shalt  }
0x7d: {  	_ =	shalt  }
0x7e: {  	_ =	shalt  }
0x7f: {  	_ =	shalt  }
0x80: {  	_ =	shalt  }
0x81: {  	_ =	shalt  }
0x82: {  	_ =	shalt  }
0x83: {  	_ =	shalt  }
0x84: {  	_ =	shalt  }
0x85: {  	_ =	shalt  }
0x86: {  	_ =	shalt  }
0x87: {  	_ =	shalt  }
.Lfunc_end0:
.L_simem_size_0:
called_computation_lowered:
.L_overlay_start_0:
0x88: {  	s2 =	sld [smem:$0x3FD9]  }
0x89: {  	s3 =	sld [smem:$0x3FFE];
	_ =	sdelay $0x1  }
0x8a: {  	s1 =	srdreg.scid  }
0x8b: {  	s0 =	sand.u32 $0x1, s1  }
0x8c: {  	s14 =	sshll.u32 s0, $0xA;
	s2 =	sadd.s32 s3, s2  }
0x8d: {  	s2 =	sadd.s32 s2, s14  }
0x8e: {  	[smem:$0x3FC3] =	sst s2  }
0x8f: {  	_ = 	snop  }
0x90: {  	s2 =	sld [smem:$0x3FD0];
	_ =	sdelay $0x2  }
0x91: {  	s15 =	simm.s32 $0xA;
	s4 =	simm.s32 $0x10  }
0x92: {  	[smem:s4], [sflag:s15] =	dma.local [hbm:s2], $0x1  }
0x93: {  	_ =	swait.eq [sflag:s15], $0x1  }
0x94: {  	[sflag:s15] =	ssyncset.done $0x0  }
0x95: {  	[sflag:s15] =	ssyncadd.s32 $0xFFFFFFFF  }
0x96: {  	s16 =	sld [smem:$0x10];
	(tm) =	ssettm $0x1  }
0x97: {  	s17 =	sld [smem:$0x3FFB];
	_ =	sdelay $0x3  }
0x98: {  	_ =	strace s17  }
0x99: {  	s3 =	sld [smem:$0x3FFC];
	_ =	sdelay $0x3  }
0x9a: {  	_ =	strace s3  }
0x9b: {  	s3 =	sld [smem:$0x3FFD];
	_ =	sdelay $0x3  }
0x9c: {  	_ =	strace s3  }
0x9d: {  	_ =	strace $0x8FFFFFFF  }
0x9e: {  	s18 =	sld [smem:$0x3FDB];
	_ =	sdelay $0x1  }
0x9f: {  	s19 =	simm.s32 $_scs_section_size  }
0xa0: {  	s5 =	simm.s32 $_size__tile_overlayer_lowered;
	s6 =	simm.s32 $_tile_overlayer_lowered  }
0xa1: {  	s22 =	simm.s32 $0x1BFF;
	s21 =	sshll.u32 s6, $0x1;
	s3 =	sadd.s32 s19, s18  }
0xa2: {  	s7 =	simm.s32 $0x0;
	s20 =	sshll.u32 s5, $0x1;
	s5 =	sadd.s32 s21, s3  }
0xa3: {  	[timem:s7], [sflag:s22] =	dma.local [hbm:s5], s20  }
0xa4: {  	_ =	swait.ge [sflag:s22], s20  }
0xa5: {  	s4 =	ssub.s32 $0x0, s20;
	[sflag:s22] =	ssyncset.done $0x0  }
0xa6: {  	[sflag:s22] =	ssyncadd.s32 s4;
	_ =	sdelay $0x1  }
0xa7: {  	s23 =	simm.s32 $0x1B8B  }
0xa8: {  	_ =	swait.ge [sflag:s23], $0x1  }
0xa9: {  	[sflag:s23] =	ssyncset.done $0x0  }
0xaa: {  	s25 =	simm.s32 $0x1B8E;
	s24 =	sld [smem:$0x3FFE];
	[sflag:s23] =	ssyncadd.s32 $0xFFFFFFFF  }
0xab: {  	s26 =	simm.s32 $execute0_lowered;
	[smem:$0x3FD2] =	sst s25  }
0xac: {  	s5 =	sshll.u32 s26, $0x1;
	_ =	strace $0x80000046;
	[dreg:$0x1] =	wrdreg $0xFFFFFFFF  }
0xad: {  	s28 =	simm.s32 $_size_execute0_lowered;
	s3 =	sadd.s32 s3, s5;
	[dreg:$0x0] =	wrdreg $0x0  }
0xae: {  	s5 =	sshll.u32 s28, $0x1;
	[dreg:$0x2] =	wrdreg s3  }
0xaf: {  	[dreg:$0x3] =	wrdreg s5  }
0xb0: {  	[dreg:$0x4] =	wrdreg $0xC0  }
0xb1: {  	_ =	task [dreg:s7], $0x5FFFF  }
0xb2: {  	[dreg:$0x1] =	wrdreg $0xFFFFFFFF  }
0xb3: {  	[dreg:$0x0] =	wrdreg $0x60  }
0xb4: {  	[dreg:$0x2] =	wrdreg s16  }
0xb5: {  	[dreg:$0x3] =	wrdreg s24  }
0xb6: {  	[dreg:$0x4] =	wrdreg $0x9  }
0xb7: {  	_ =	task.clear_ibuf [dreg:s7], $0x5FFFF;
	_ =	strace $0x90000046  }
0xb8: {  	s29 =	simm.s32 $0x9;
	_ =	strace $0x80000048  }
0xb9: {  	_ =	swait.ge [sflag:s29], $0x1  }
0xba: {  	[sflag:s29] =	ssyncadd.s32 $0xFFFFFFFF  }
0xbb: {  	_ =	strace $0x90000048  }
0xbc: {  	_ =	sfence  }
0xbd: {  	s30 =	sld [smem:$0x0];
	_ =	sdelay $0x2  }
0xbe: {  	s31 =	sshll.u32 s1, $0xD;
	s1 =	sshrl.u32 s1, $0x2  }
0xbf: {  	s3 =	sand.u32 $0x4000, s31;
	s1 =	sadd.s32 s1, s30  }
0xc0: {  	s0 =	sor.u32 s3, s0;
	s1 =	sshll.u32 s1, $0x11  }
0xc1: {  	s0 =	sor.u32 s1, s0  }
0xc2: {  	s0 =	sadd.s32 $0x8F2B, s0  }
0xc3: {  	[sflag:s0] =	ssyncadd.remote.s32 $0x1  }
0xc4: {  	_ =	sfence.sel $0xFFFF  }
0xc5: {  	[dreg:$0x0] =	wrdreg $0xFFFFFFFF;
	(pc) =	sbr.abs _section_cstart, $3  }
0xc6: {  	[dreg:$0x1] =	wrdreg $0xFFFFFFFF  }
0xc7: {  	_ =	task.clear_ibuf [dreg:s7], $0x2FFFF;
	_ =	strace $0x9FFFFFFF  }
0xc8: {  	(tm) =	ssettm $0x7FFFFFFF  }
0xc9: {  	_ =	shalt  }
tec
execute0_lowered:
.L_overlay_start_1:
0x0: {  	(tag) =	ssettag $0x1  }
0x1: {  	s3 =	rddreg [dreg:$0x0]  }
0x2: {  	s4 =	rddreg [dreg:$0x1]  }
0x3: {  	s0 =	rddreg [dreg:$0x2];
	s5 =	srdreg.scid  }
0x4: {  	s1 =	stileid.u32;
	s2 =	simm.s32 $0x0;
	s9 =	simm.s32 $0xC000  }
0x5: {  	s10 =	simm.s32 $0x0;
	s5 =	sand.u32 $0x1, s5;
	s6 =	sshll.u32 s1, $0x1  }
0x6: {  	[smem:$0x7FF] =	sst s2;
	s6 =	sor.u32 s5, s6;
	s5 =	ssub.s32 $0x2, s5  }
0x7: {  	_ =	strace $0x80000047;
	s7 =	sshll.u32 s6, $0xC;
	s31 =	sshrl.u32 s5, $0x1  }
0x8: {  	s6 =	sshll.u32 s6, $0xB;
	s7 =	sadd.s32 s7, s4;
	s8 =	ssub.s32 s5, s31  }
0x9: {  	v1 =	vlaneseq.u32;
	s3 =	sadd.s32 s3, s6;
	s4 =	sadd.s32 $0x1200, s7;
	s5 =	sadd.s32 $0x21200, s7  }
0xa: {  	v0 =	vimm.f32 $0.0e+00;
	v1 =	vmul.u32 $0x80, v1;
	s6 =	smax.u32 s8, $0x1;
	s7 =	simm.s32 $0x1;
	s8 =	simm.s32 $0x4000  }
.LBB2_1:
0xb: {  	[tilespmem:s2], [sflag:$0x1] =	stream.linear.gather [hbm4b:s3+s2], $0x4000, $0x38;
	[tilespmem:$0x14000] =	vst v63  }
0xc: {  	_ =	swait.ge [sflag:s7], $0x4000  }
0xd: {  	[sflag:s7] =	ssyncset.done $0x0  }
0xe: {  	s11 =	simm.s32 $0x200;
	s12 =	simm.s32 $0x0;
	[sflag:s7] =	ssyncadd.s32 $0xFFFFC000  }
.LBB2_2:
0xf: {  	p0 =	sne.s32 s11, $0x1FE00;
	[tilespmem:s12+$0x4030] =	vst v0;
	s13 =	smov.u32 s11;
	s11 =	sadd.s32 $0x200, s11  }
.Ltmp0:
0x10: {  	[tilespmem:s12+$0x4020] =	vst v0;
	(pc) =	sbr.rel @p0 .LBB2_2-.Ltmp0, $3  }
0x11: {  	[tilespmem:s12+$0x4000] =	vst v0  }
0x12: {  	[tilespmem:s12+$0x4010] =	vst v0;
	_ =	sdelay $0x1  }
0x13: {  	s12 =	sshra.s32 s13, $0x2  }
0x14: {  	[tilespmem:s12+$0x4030] =	vst v0  }
0x15: {  	[tilespmem:s12+$0x4020] =	vst v0  }
0x16: {  	[tilespmem:s12+$0x4000] =	vst v0  }
0x17: {  	s11 =	simm.s32 $0x0;
	[tilespmem:s12+$0x4010] =	vst v0;
	s12 =	simm.s32 $0x0  }
.LBB2_4:
0x18: {  	s13 =	sshll.u32 s12, $0x4  }
0x19: {  	s14 =	sand.u32 $0x70, s13  }
0x1a: {  	v2 =	vmov s14  }
0x1b: {  	s24 =	sshll.u32 s12, $0x7  }
0x1c: {  	s15 =	sand.u32 $0x3800, s11;
	s14 =	sand.u32 $0x400, s24  }
0x1d: {  	s16 =	sand.u32 $0x300, s11;
	s15 =	sor.u32 s15, s14  }
0x1e: {  	s16 =	sadd.s32 s16, s15  }
0x1f: {  	s17 =	simm.s32 $0x80;
	v3 =	vld.idx.msk [tilespmem:v2+s16+$0x0 ss:$0x1], $0xffff  }
0x20: {  	s25 =	sand.u32 $0x380, s17  }
0x21: {  	s15 =	sadd.s32 s25, s15  }
0x22: {  	v4 =	vld.idx.msk [tilespmem:v2+s15+$0x0 ss:$0x1], $0xffff  }
0x23: {  	v5 =	vimm.f32 $-1.000000000e+00  }
0x24: {  	vm2 =	vgt.f32 v3, v5  }
0x25: {  	v13 =	vimm.s32 $0x0;
	v6 =	vsel vm2, v3, v5;
	v3 =	vsel vm2, v5, v3  }
0x26: {  	v9 =	vnsel vm2, s11, v13;
	vm3 =	vgt.f32 v3, v5  }
0x27: {  	v12 =	vsel vm2, s11, v13;
	vm1 =	vgt.f32 v4, v6;
	v7 =	vsel vm3, v3, v5  }
0x28: {  	v8 =	vsel vm1, v6, v4;
	v3 =	vsel vm3, v5, v3;
	v10 =	vsel vm3, v9, v13  }
0x29: {  	v4 =	vsel vm1, v4, v6;
	vm0 =	vgt.f32 v8, v7;
	vm2 =	vgt.f32 v3, v5  }
0x2a: {  	s26 =	simm.s32 $0x1;
	v11 =	vsel vm0, v7, v8;
	v6 =	vsel vm2, v3, v5;
	v7 =	vsel vm0, v8, v7  }
0x2b: {  	s28 =	simm.s32 $0x200;
	v8 =	vsel vm3, v13, v9;
	v3 =	vsel vm2, v5, v3;
	v9 =	vsel vm1, s26, v12  }
0x2c: {  	s29 =	sand.u32 $0x3800, s28;
	s15 =	simm.s32 $0x100;
	vm3 =	vgt.f32 v11, v6;
	vm5 =	vgt.f32 v3, v5;
	v14 =	vsel vm2, v13, v8  }
0x2d: {  	s17 =	sor.u32 s29, s14;
	s18 =	sand.u32 $0x300, s15;
	v8 =	vsel vm2, v8, v13;
	v15 =	vsel vm5, v3, v5;
	v16 =	vsel vm3, v6, v11  }
0x2e: {  	s18 =	sadd.s32 s18, s17;
	v17 =	vsel vm5, v14, v13;
	v19 =	vsel vm3, v11, v6;
	v3 =	vsel vm5, v5, v3  }
0x2f: {  	v21 =	vld.idx.msk [tilespmem:v2+s18+$0x0 ss:$0x1], $0xffff;
	v6 =	vsel vm5, v13, v14;
	vm4 =	vgt.f32 v16, v15;
	vm6 =	vgt.f32 v3, v5  }
0x30: {  	v20 =	vsel vm4, v16, v15;
	v14 =	vsel vm6, v3, v5;
	v3 =	vsel vm6, v5, v3  }
0x31: {  	v11 =	vsel vm4, v15, v16;
	v15 =	vsel vm6, v13, v6;
	vm5 =	vgt.f32 v3, v5  }
0x32: {  	s19 =	simm.s32 $0x180;
	v6 =	vsel vm6, v6, v13;
	vm7 =	vgt.f32 v11, v14;
	v16 =	vsel vm5, v3, v5  }
0x33: {  	s30 =	sand.u32 $0x380, s19;
	v3 =	vsel vm5, v5, v3;
	v18 =	vsel vm7, v14, v11;
	v14 =	vsel vm7, v11, v14  }
0x34: {  	s31 =	simm.s32 $0x2;
	s16 =	sadd.s32 s30, s17;
	v11 =	vnsel vm1, s26, v12;
	vm1 =	vgt.f32 v21, v4;
	vm8 =	vgt.f32 v18, v16  }
0x35: {  	v23 =	vld.idx.msk [tilespmem:v2+s16+$0x0 ss:$0x1], $0xffff;
	v12 =	vsel vm0, v10, v11;
	v22 =	vsel vm0, v11, v10;
	v28 =	vnsel vm1, s31, v9  }
0x36: {  	v29 =	vsel vm8, v18, v16;
	v10 =	vsel vm3, v8, v12;
	v8 =	vsel vm3, v12, v8  }
0x37: {  	v12 =	vsel vm8, v16, v18;
	v16 =	vsel vm1, v21, v4;
	v4 =	vsel vm1, v4, v21  }
0x38: {  	v18 =	vsel vm1, s31, v9;
	v25 =	vsel vm4, v10, v17;
	v11 =	vsel vm4, v17, v10  }
0x39: {  	v17 =	vsel vm5, v15, v13;
	v15 =	vsel vm5, v13, v15;
	vm5 =	vgt.f32 v3, v5  }
0x3a: {  	vm4 =	vgt.f32 v4, v7;
	vm0 =	vgt.f32 v23, v16;
	v10 =	vsel vm7, v11, v6  }
0x3b: {  	v11 =	vsel vm7, v6, v11;
	v27 =	vsel vm5, v13, v15;
	v21 =	vsel vm4, v4, v7  }
0x3c: {  	v24 =	vsel vm0, v16, v23;
	v26 =	vsel vm5, v5, v3;
	v7 =	vsel vm4, v7, v4  }
0x3d: {  	v9 =	vsel vm0, v23, v16;
	v6 =	vsel vm8, v11, v17;
	v11 =	vsel vm8, v17, v11  }
0x3e: {  	v17 =	vsel vm5, v15, v13;
	vm2 =	vgt.f32 v24, v21;
	v15 =	vsel vm4, v28, v22  }
0x3f: {  	vm6 =	vgt.f32 v26, v5;
	vm3 =	vgt.f32 v7, v19;
	v30 =	vsel vm2, v21, v24  }
0x40: {  	s16 =	simm.s32 $0x3;
	v16 =	vsel vm3, v7, v19;
	v4 =	vsel vm2, v24, v21;
	v24 =	vsel vm6, v26, v5  }
0x41: {  	v21 =	vsel vm4, v22, v28;
	v19 =	vsel vm3, v19, v7;
	v7 =	vsel vm0, s16, v18  }
0x42: {  	v26 =	vsel vm5, v3, v5;
	v28 =	vsel vm6, v27, v13;
	vm4 =	vgt.f32 v30, v16  }
0x43: {  	vm1 =	vgt.f32 v19, v20;
	v22 =	vsel vm3, v8, v21;
	vm7 =	vgt.f32 v12, v26  }
0x44: {  	v32 =	vsel vm4, v16, v30;
	v5 =	vsel vm4, v30, v16;
	v16 =	vsel vm1, v20, v19  }
0x45: {  	v31 =	vsel vm1, v19, v20;
	v23 =	vsel vm1, v22, v25;
	vm8 =	vgt.f32 v16, v14  }
0x46: {  	v27 =	vsel vm1, v25, v22;
	vm5 =	vgt.f32 v32, v31;
	v13 =	vsel vm8, v14, v16  }
0x47: {  	v22 =	vsel vm7, v11, v17;
	v3 =	vsel vm5, v32, v31;
	v19 =	vsel vm5, v31, v32  }
0x48: {  	v20 =	vsel vm8, v16, v14;
	v25 =	vsel vm8, v10, v27;
	vm6 =	vgt.f32 v13, v29  }
0x49: {  	s20 =	simm.s32 $0x4;
	s17 =	simm.s32 $0x400;
	vm1 =	vgt.f32 v19, v20;
	v14 =	vsel vm6, v13, v29;
	v16 =	vsel vm6, v29, v13;
	v13 =	vmovc v6  }
.LBB2_5:
0x4a: {  	s21 =	sand.u32 $0x3800, s17  }
0x4b: {  	v29 =	vsel vm1, v19, v20;
	v19 =	vsel vm1, v20, v19;
	s15 =	sadd.s32 $0x100, s15;
	v20 =	vsel vm7, v26, v12;
	s19 =	smov.u32 s20;
	s18 =	sadd.s32 $0x2, s20  }
0x4c: {  	p0 =	sne.s32 s20, $0x3E;
	v26 =	vsel vm7, v12, v26;
	v11 =	vsel vm7, v17, v11;
	s22 =	sand.u32 $0x300, s15;
	s21 =	sor.u32 s21, s14;
	vm7 =	vgt.f32 v20, v24  }
0x4d: {  	vm9 =	vgt.f32 v19, v14;
	s20 =	sadd.s32 s22, s21;
	s22 =	sadd.s32 $0x80, s15;
	v20 =	vsel vm7, v20, v24;
	v28 =	vsel vm7, v11, v28  }
0x4e: {  	v11 =	vsel vm8, v27, v10;
	v10 =	vnsel vm0, s16, v18;
	v30 =	vsel vm9, v19, v14;
	v17 =	vld.idx.msk [tilespmem:v2+s20+$0x0 ss:$0x1], $0xffff;
	s20 =	sand.u32 $0x380, s22  }
0x4f: {  	v12 =	vsel vm3, v21, v8;
	v21 =	vsel vm2, v10, v15;
	v10 =	vsel vm2, v15, v10;
	s16 =	sadd.s32 s20, s21  }
0x50: {  	v8 =	vsel vm4, v10, v12;
	v10 =	vsel vm4, v12, v10;
	v24 =	vld.idx.msk [tilespmem:v2+s16+$0x0 ss:$0x1], $0xffff  }
0x51: {  	v27 =	vsel vm5, v10, v23;
	v12 =	vsel vm5, v23, v10  }
0x52: {  	v15 =	vsel vm6, v25, v6;
	v10 =	vsel vm1, v12, v11;
	v11 =	vsel vm1, v11, v12  }
0x53: {  	v12 =	vsel vm9, v14, v19;
	v6 =	vsel vm9, v11, v15;
	v11 =	vsel vm9, v15, v11  }
0x54: {  	v14 =	vsel vm6, v13, v25;
	vm1 =	vgt.f32 v16, v26;
	vm3 =	vgt.f32 v17, v9;
	v13 =	vmovc v6  }
0x55: {  	v25 =	vsel vm1, v22, v14;
	v19 =	vsel vm3, v17, v9;
	v9 =	vsel vm3, v9, v17  }
0x56: {  	s16 =	sadd.s32 $0x1, s19;
	v17 =	vsel vm1, v14, v22;
	vm4 =	vgt.f32 v9, v4;
	vm0 =	vgt.f32 v24, v19  }
0x57: {  	v23 =	vsel vm1, v26, v16;
	v14 =	vsel vm4, v9, v4;
	v22 =	vsel vm0, v19, v24  }
0x58: {  	v31 =	vnsel vm3, s19, v7;
	v32 =	vsel vm4, v4, v9;
	vm2 =	vgt.f32 v22, v14  }
0x59: {  	vm6 =	vgt.f32 v23, v20;
	v15 =	vsel vm4, v31, v21;
	v33 =	vsel vm2, v14, v22  }
0x5a: {  	v18 =	vsel vm3, s19, v7;
	v9 =	vsel vm0, v24, v19;
	vm3 =	vgt.f32 v32, v5  }
0x5b: {  	v24 =	vsel vm6, v23, v20;
	v19 =	vsel vm3, v32, v5;
	v4 =	vsel vm2, v22, v14  }
0x5c: {  	v21 =	vsel vm4, v21, v31;
	v14 =	vsel vm3, v5, v32;
	vm4 =	vgt.f32 v33, v19  }
0x5d: {  	v26 =	vsel vm1, v16, v26;
	v7 =	vsel vm0, s16, v18;
	vm7 =	vgt.f32 v14, v3  }
0x5e: {  	v16 =	vsel vm3, v8, v21;
	v20 =	vsel vm7, v14, v3;
	v22 =	vsel vm4, v19, v33  }
0x5f: {  	v23 =	vsel vm7, v16, v27;
	v5 =	vsel vm4, v33, v19;
	vm5 =	vgt.f32 v22, v20  }
.Ltmp1:
0x60: {  	v28 =	vsel vm6, v25, v28;
	v14 =	vsel vm7, v3, v14;
	v3 =	vsel vm5, v22, v20;
	(pc) =	sbr.rel @p0 .LBB2_5-.Ltmp1, $4  }
0x61: {  	v27 =	vsel vm7, v27, v16;
	vm8 =	vgt.f32 v14, v29;
	v19 =	vsel vm5, v20, v22  }
0x62: {  	vm7 =	vgt.f32 v12, v26;
	v20 =	vsel vm8, v14, v29;
	v16 =	vsel vm8, v29, v14  }
0x63: {  	v22 =	vsel vm7, v11, v17;
	vm6 =	vgt.f32 v16, v30;
	vm1 =	vgt.f32 v19, v20  }
0x64: {  	s17 =	sadd.s32 $0x200, s17;
	s20 =	smov.u32 s18;
	v25 =	vsel vm8, v10, v27;
	v14 =	vsel vm6, v16, v30;
	v16 =	vsel vm6, v30, v16  }
0x65: {  	v2 =	vsel vm7, v26, v12  }
0x66: {  	v57 =	vsel vm7, v12, v26;
	v26 =	vsel vm1, v20, v19;
	v11 =	vsel vm7, v17, v11  }
0x67: {  	v58 =	vnsel vm0, s16, v18;
	v8 =	vsel vm3, v21, v8;
	v10 =	vsel vm8, v27, v10  }
0x68: {  	v6 =	vsel vm6, v25, v6;
	v13 =	vsel vm6, v13, v25;
	v29 =	vmov s13  }
0x69: {  	v31 =	vand.u32 $0xFFFFFF80, v7;
	v32 =	vand.u32 $0x7F, v7;
	vm9 =	vgt.f32 v2, v24  }
0x6a: {  	vm12 =	vgt.f32 v26, v14;
	v18 =	vsel vm2, v15, v58;
	v59 =	vsel vm2, v58, v15  }
0x6b: {  	vm13 =	vgt.f32 v16, v57;
	v30 =	vshll.u32 v29, $0x7;
	v2 =	vsel vm9, v2, v24  }
0x6c: {  	v11 =	vsel vm9, v11, v28;
	v21 =	vsel vm4, v8, v18;
	v8 =	vsel vm4, v18, v8  }
0x6d: {  	v63 =	vsel vm13, v22, v13;
	v28 =	vsel vm13, v57, v16;
	v13 =	vsel vm13, v13, v22  }
0x6e: {  	v22 =	vor.u32 v1, v30;
	v12 =	vsel vm13, v16, v57;
	v33 =	vand.u32 $0xFFFFFF80, v59  }
0x6f: {  	v34 =	vand.u32 $0x7F, v59;
	v60 =	vsel vm5, v23, v21;
	v61 =	vsel vm5, v21, v23  }
0x70: {  	v23 =	vsel vm12, v14, v26;
	vm14 =	vgt.f32 v28, v2;
	v24 =	vadd.s32 v22, v31  }
0x71: {  	v21 =	vadd.s32 v22, v33;
	v36 =	vand.u32 $0xFFFFFF80, v8;
	v37 =	vor.u32 $0x1, v22  }
0x72: {  	v38 =	vand.u32 $0x7F, v8;
	v41 =	vor.u32 $0x2, v22;
	v16 =	vor.u32 v32, v24  }
0x73: {  	v46 =	vor.u32 $0x3, v22;
	v50 =	vor.u32 $0x4, v22;
	v62 =	vsel vm1, v10, v60  }
0x74: {  	v10 =	vsel vm1, v60, v10;
	v2 =	vsel vm14, v28, v2;
	v21 =	vor.u32 v34, v21  }
0x75: {  	v11 =	vsel vm14, v63, v11;
	vm0 =	vgt.f32 v23, v12;
	v24 =	vadd.s32 v22, v36  }
0x76: {  	v40 =	vand.u32 $0xFFFFFF80, v61;
	v17 =	vsel vm12, v62, v6;
	v39 =	vor.u32 v38, v24  }
0x77: {  	v42 =	vand.u32 $0x7F, v61;
	v6 =	vsel vm12, v6, v62;
	v24 =	vadd.s32 v22, v40;
	[tilespmem:v16+s8+$0x0] =	vst.idx.msk $0xffff, v9  }
0x78: {  	v43 =	vsel vm0, v12, v23;
	v45 =	vand.u32 $0xFFFFFF80, v10;
	v44 =	vor.u32 v42, v24;
	[tilespmem:v22+s9+$0x0] =	vst.idx.msk $0xffff, v7  }
0x79: {  	v47 =	vand.u32 $0x7F, v10;
	v35 =	vsel vm0, v6, v13;
	v16 =	vadd.s32 v22, v45;
	[tilespmem:v21+s8+$0x0] =	vst.idx.msk $0xffff, v4  }
0x7a: {  	v6 =	vsel vm0, v13, v6;
	v49 =	vand.u32 $0xFFFFFF80, v17;
	v48 =	vor.u32 v47, v16;
	[tilespmem:v37+s9+$0x0] =	vst.idx.msk $0xffff, v59  }
0x7b: {  	vm15 =	vgt.f32 v43, v2;
	v51 =	vand.u32 $0x7F, v17;
	v16 =	vadd.s32 v22, v49;
	[tilespmem:v39+s8+$0x0] =	vst.idx.msk $0xffff, v5  }
0x7c: {  	v6 =	vsel vm15, v6, v11;
	v53 =	vand.u32 $0xFFFFFF80, v35;
	v52 =	vor.u32 v51, v16;
	[tilespmem:v41+s9+$0x0] =	vst.idx.msk $0xffff, v8  }
0x7d: {  	v54 =	vand.u32 $0x7F, v35;
	v9 =	vadd.s32 v22, v53;
	[tilespmem:v44+s8+$0x0] =	vst.idx.msk $0xffff, v3;
	v3 =	vor.u32 $0x5, v22  }
0x7e: {  	v55 =	vsel vm1, v19, v20;
	v57 =	vand.u32 $0xFFFFFF80, v6;
	v56 =	vor.u32 v54, v9;
	[tilespmem:v46+s9+$0x0] =	vst.idx.msk $0xffff, v61  }
0x7f: {  	v58 =	vor.u32 $0x6, v22;
	v7 =	vadd.s32 v22, v57;
	v59 =	vand.u32 $0x7F, v6;
	[tilespmem:v48+s8+$0x0] =	vst.idx.msk $0xffff, v55  }
0x80: {  	s12 =	sadd.s32 $0x1, s12;
	v60 =	vsel vm12, v26, v14;
	v61 =	vor.u32 v59, v7;
	[tilespmem:v50+s9+$0x0] =	vst.idx.msk $0xffff, v10  }
0x81: {  	p0 =	sne.s32 s12, $0x10;
	v62 =	vor.u32 $0x7, v22;
	[tilespmem:v52+s8+$0x0] =	vst.idx.msk $0xffff, v60  }
.Ltmp2:
0x82: {  	v63 =	vsel vm0, v23, v12;
	[tilespmem:v3+s9+$0x0] =	vst.idx.msk $0xffff, v17;
	(pc) =	sbr.rel @p0 .LBB2_4-.Ltmp2, $4  }
0x83: {  	[tilespmem:v56+s8+$0x0] =	vst.idx.msk $0xffff, v63  }
0x84: {  	v2 =	vsel vm15, v43, v2;
	[tilespmem:v58+s9+$0x0] =	vst.idx.msk $0xffff, v35  }
0x85: {  	[tilespmem:v61+s8+$0x0] =	vst.idx.msk $0xffff, v2  }
0x86: {  	[tilespmem:v62+s9+$0x0] =	vst.idx.msk $0xffff, v6  }
0x87: {  	[hbm4b:s4+s2] =	stream.linear.scatter [tilespmem:s8], [sflag:$0x1], $0x8000, $0x38;
	[tilespmem:$0x14000] =	vst v63  }
0x88: {  	s10 =	sadd.s32 $0x1, s10;
	_ =	swait.ge [sflag:s7], $0x8000  }
0x89: {  	p0 =	sne.s32 s10, s6;
	[sflag:s7] =	ssyncset.done $0x0  }
.Ltmp3:
0x8a: {  	[sflag:s7] =	ssyncadd.s32 $0xFFFF8000;
	(pc) =	sbr.rel @p0 .LBB2_1-.Ltmp3, $4  }
0x8b: {  	[hbm4b:s5+s2] =	stream.linear.scatter [tilespmem:s9], [sflag:$0x1], $0x8000, $0x38;
	[tilespmem:$0x14000] =	vst v63  }
0x8c: {  	_ =	swait.ge [sflag:s7], $0x8000  }
0x8d: {  	[sflag:s7] =	ssyncset.done $0x0  }
0x8e: {  	[sflag:s7] =	ssyncadd.s32 $0xFFFF8000  }
0x8f: {  	_ =	sfence.sel $0x180000  }
0x90: {  	[bflag:$0x0] =	sbarrier.arrive $0xFFFF  }
0x91: {  	p0 =	sne.s32 s1, $0x0;
	_ =	strace $0x90000047  }
0x92: {  	s0 =	sadd.s32 @!p0 $0x100000, s0;
	[bflag:$0x2] =	sbarrier.arrive $0xFFFF  }
0x93: {  	[sflag:s0] =	ssyncadd.tile.s32 @!p0 $0x1;
	_ =	shalt  }
.Lfunc_end2:
_tile_overlayer_lowered:
.L_overlay_start_2:
0x94: {  	(tag) =	ssettag $0x2  }
0x95: {  	s0 =	rddreg [dreg:$0x0];
	s2 =	stileid.u32  }
0x96: {  	s1 =	rddreg [dreg:$0x1];
	p0 =	sne.s32 s2, $0x0  }
0x97: {  	s3 =	rddreg [dreg:$0x2];
	[bflag:$0x3] =	sbarrier.arrive $0xFFFF;
	s2 =	simm.s32 @!p0 $0x1C01  }
0x98: {  	[timem:s3], [sflag:s2] =	dma.local @!p0 [hbm:s0], s1  }
0x99: {  	s0 =	simm.s32 @!p0 $0x1  }
0x9a: {  	_ =	swait.ge @!p0 [sflag:s0], s1  }
0x9b: {  	s1 =	ssub.s32 @!p0 $0x0, s1;
	[sflag:s0] =	ssyncset.done @!p0 $0x0  }
0x9c: {  	[sflag:s0] =	ssyncadd.s32 @!p0 s1  }
0x9d: {  	[bflag:$0x3] =	sbarrier.arrive $0xFFFF  }
0x9e: {  	_ =	shalt  }

</sc_bundles>
